<compile_context>
chip_gen: v7x
topology: tpu7x:2x2x1
jax: 0.10.2.dev20260603
libtpu: 0.0.44.dev20260713+nightly
codegen_flags: <defaults>
</compile_context>

<pallas_src>
import jax
import jax.numpy as jnp
from jax import lax
from jax.experimental import pallas as pl
from jax.experimental.pallas import tpu as pltpu
from jax.experimental.pallas import tpu_sc as plsc

_L = 512
_FN = 1032
_NPH = 8


def _build_f_sc(table):
    max_len, d_model = table.shape

    info = plsc.get_sparse_core_info()
    num_workers = info.num_cores * info.num_subcores
    base_rows = 32
    gather_rows = 48

    mesh = plsc.VectorSubcoreMesh(core_axis_name="c", subcore_axis_name="s")

    @pl.kernel(
        out_type=jax.ShapeDtypeStruct((_FN, d_model), jnp.float32),
        mesh=mesh,
        scratch_types=[
            pltpu.VMEM((gather_rows,), jnp.int32),
            pltpu.VMEM((gather_rows, d_model), jnp.float32),
            pltpu.SemaphoreType.DMA,
        ],
    )
    def k(table_hbm, f_hbm, idx_v, rows_v, gsem):
        wid = lax.axis_index("s") * info.num_cores + lax.axis_index("c")
        base = wid * base_rows
        for r in range(gather_rows // 16):
            kk = base + r * 16 + lax.iota(jnp.int32, 16)
            v = (_L - 1) - kk
            v = jnp.where(v < 0, v + max_len, v)
            idx_v[pl.ds(r * 16, 16)] = v
        pltpu.async_copy(table_hbm.at[idx_v], rows_v, gsem).wait()
        pltpu.sync_copy(rows_v.at[pl.ds(0, base_rows)], f_hbm.at[pl.ds(base, base_rows)])

        @pl.when(wid == num_workers - 1)
        def _():
            pltpu.sync_copy(
                rows_v.at[pl.ds(base_rows, _NPH)],
                f_hbm.at[pl.ds(base + base_rows, _NPH)],
            )

    return k(table)


def _fan_out_tc(f):
    d_model = f.shape[1]
    fpad = _FN - _NPH

    def body(f_ref, o_hbm, f8v, osem):
        copies_per_phase = _L // _NPH

        for r in range(_NPH):
            b = r % 2
            if r >= 2:
                def drain(i, _):
                    pltpu.make_async_copy(
                        f8v.at[0, pl.ds(0, _L), :], o_hbm.at[0], osem
                    ).wait()
                    return 0

                lax.fori_loop(0, copies_per_phase, drain, 0)

            f8v[b] = f_ref[pl.ds(_NPH - 1 - r, fpad), :]

            def issue(q, _):
                start = pl.multiple_of((_L - _NPH) - _NPH * q, _NPH)
                pltpu.make_async_copy(
                    f8v.at[b, pl.ds(start, _L), :], o_hbm.at[_NPH * q + r], osem
                ).start()
                return 0

            lax.fori_loop(0, copies_per_phase, issue, 0)

        def drain_tail(i, _):
            pltpu.make_async_copy(
                f8v.at[0, pl.ds(0, _L), :], o_hbm.at[0], osem
            ).wait()
            return 0

        lax.fori_loop(0, 2 * copies_per_phase, drain_tail, 0)

    return pl.pallas_call(
        body,
        in_specs=[pl.BlockSpec(memory_space=pltpu.VMEM)],
        out_specs=pl.BlockSpec(memory_space=pl.ANY),
        out_shape=jax.ShapeDtypeStruct((_L, _L, d_model), jnp.float32),
        scratch_shapes=[
            pltpu.VMEM((2, fpad, d_model), jnp.float32),
            pltpu.SemaphoreType.DMA,
        ],
    )(f)


def kernel(rel_pos_embed, length):
    del length
    return _fan_out_tc(_build_f_sc(rel_pos_embed))

# --- scband reference (transcript-rebuilt; emitter-appended) ---
"""Pipeline reference for scband-relative-positional-encoding-57174604644537 (READ-ONLY COPY).

The authoritative reference and input builder live on the scoring server;
editing this copy changes nothing except your own understanding.
"""

import jax, jax.numpy as jnp
import numpy as np

MAX_LEN = 5000
D_MODEL = 512
LENGTH = 512


def setup_inputs(seed: int = 0) -> dict:
    key = jax.random.key(seed)
    rel_pos_embed = jax.random.normal(key, (MAX_LEN, D_MODEL), dtype=jnp.float32) * 0.02
    return {"rel_pos_embed": rel_pos_embed, "length": LENGTH}


def reference(rel_pos_embed, length):
    max_len = rel_pos_embed.shape[0]
    range_vec = jnp.arange(LENGTH) + (length - LENGTH)
    range_mat = range_vec[:, None] - range_vec[None, :]
    idx = (range_mat + max_len) % max_len
    # embedding gather: [L, L] indices into [max_len, d_model] table -> [L, L, d_model]
    return jnp.take(rel_pos_embed, idx, axis=0)

if __name__ == "__main__":
    import jax
    _d = setup_inputs()
    print(jax.jit(kernel)(*tuple(_d.values())))

</pallas_src>

<mosaic_0001>
#map = affine_map<(d0, d1) -> (0, 0)>
module attributes {stable_mosaic.version = 14 : i64} {
  func.func @k(%arg0: i32, %arg1: i32, %arg2: memref<5000x512xf32, #tpu.memory_space<hbm>>, %arg3: memref<1032x512xf32, #tpu.memory_space<hbm>>, %arg4: memref<48xi32, #tpu.memory_space<vmem>>, %arg5: memref<48x512xf32, #tpu.memory_space<vmem>>, %arg6: memref<!tpu.dma_semaphore, #tpu.memory_space<semaphore_mem>>) attributes {dimension_semantics = [#tpu.dimension_semantics<core_parallel>, #tpu.dimension_semantics<subcore_parallel>], iteration_bounds = array<i64: 2, 16>, scalar_prefetch = 0 : i64, scratch_operands = 3 : i64, tpu.core_type = #tpu.core_type<sc_vector_subcore>, window_params = [{transform_indices = #map}, {transform_indices = #map}]} {
    %mul3A = arith.constant 2 : i32
    %mul3A_0 = arith.muli %arg1, %mul3A : i32
    %add3A = arith.addi %mul3A_0, %arg0 : i32
    %mul3A_1 = arith.constant 32 : i32
    %mul3A_2 = arith.muli %add3A, %mul3A_1 : i32
    %add3A_3 = arith.constant 0 : i32
    %add3A_4 = arith.addi %mul3A_2, %add3A_3 : i32
    %iota3A = tpu.iota {dimensions = array<i32: 0>} : vector<16xi32>
    %add3A_5 = vector.broadcast %add3A_4 : i32 to vector<16xi32>
    %add3A_6 = arith.addi %add3A_5, %iota3A : vector<16xi32>
    %sub3A = arith.constant 511 : i32
    %sub3A_7 = vector.broadcast %sub3A : i32 to vector<16xi32>
    %sub3A_8 = arith.subi %sub3A_7, %add3A_6 : vector<16xi32>
    %lt3A = arith.constant 0 : i32
    %lt3A_9 = vector.broadcast %lt3A : i32 to vector<16xi32>
    %lt3A_10 = arith.cmpi slt, %sub3A_8, %lt3A_9 : vector<16xi32>
    %add3A_11 = arith.constant 5000 : i32
    %add3A_12 = vector.broadcast %add3A_11 : i32 to vector<16xi32>
    %add3A_13 = arith.addi %sub3A_8, %add3A_12 : vector<16xi32>
    %select_n3A = arith.select %lt3A_10, %add3A_13, %sub3A_8 : vector<16xi1>, vector<16xi32>
    %swap3A = arith.constant 0 : index
    %swap3A_14 = tpu.vector_load %arg4[%swap3A] {strides = array<i32>} : memref<48xi32, #tpu.memory_space<vmem>>, vector<16xi32>,
    %swap3A_15 = vector.shape_cast %swap3A_14 : vector<16xi32> to vector<16xi32>
    %swap3A_16 = vector.shape_cast %select_n3A : vector<16xi32> to vector<16xi32>
    tpu.vector_store %arg4[%swap3A], %swap3A_16 {strides = array<i32>} : memref<48xi32, #tpu.memory_space<vmem>>, vector<16xi32>,
    %add3A_17 = arith.constant 16 : i32
    %add3A_18 = arith.addi %mul3A_2, %add3A_17 : i32
    %iota3A_19 = tpu.iota {dimensions = array<i32: 0>} : vector<16xi32>
    %add3A_20 = vector.broadcast %add3A_18 : i32 to vector<16xi32>
    %add3A_21 = arith.addi %add3A_20, %iota3A_19 : vector<16xi32>
    %sub3A_22 = arith.constant 511 : i32
    %sub3A_23 = vector.broadcast %sub3A_22 : i32 to vector<16xi32>
    %sub3A_24 = arith.subi %sub3A_23, %add3A_21 : vector<16xi32>
    %lt3A_25 = arith.constant 0 : i32
    %lt3A_26 = vector.broadcast %lt3A_25 : i32 to vector<16xi32>
    %lt3A_27 = arith.cmpi slt, %sub3A_24, %lt3A_26 : vector<16xi32>
    %add3A_28 = arith.constant 5000 : i32
    %add3A_29 = vector.broadcast %add3A_28 : i32 to vector<16xi32>
    %add3A_30 = arith.addi %sub3A_24, %add3A_29 : vector<16xi32>
    %select_n3A_31 = arith.select %lt3A_27, %add3A_30, %sub3A_24 : vector<16xi1>, vector<16xi32>
    %swap3A_32 = arith.constant 16 : index
    %swap3A_33 = tpu.vector_load %arg4[%swap3A_32] {strides = array<i32>} : memref<48xi32, #tpu.memory_space<vmem>>, vector<16xi32>,
    %swap3A_34 = vector.shape_cast %swap3A_33 : vector<16xi32> to vector<16xi32>
    %swap3A_35 = vector.shape_cast %select_n3A_31 : vector<16xi32> to vector<16xi32>
    tpu.vector_store %arg4[%swap3A_32], %swap3A_35 {strides = array<i32>} : memref<48xi32, #tpu.memory_space<vmem>>, vector<16xi32>,
    %add3A_36 = arith.constant 32 : i32
    %add3A_37 = arith.addi %mul3A_2, %add3A_36 : i32
    %iota3A_38 = tpu.iota {dimensions = array<i32: 0>} : vector<16xi32>
    %add3A_39 = vector.broadcast %add3A_37 : i32 to vector<16xi32>
    %add3A_40 = arith.addi %add3A_39, %iota3A_38 : vector<16xi32>
    %sub3A_41 = arith.constant 511 : i32
    %sub3A_42 = vector.broadcast %sub3A_41 : i32 to vector<16xi32>
    %sub3A_43 = arith.subi %sub3A_42, %add3A_40 : vector<16xi32>
    %lt3A_44 = arith.constant 0 : i32
    %lt3A_45 = vector.broadcast %lt3A_44 : i32 to vector<16xi32>
    %lt3A_46 = arith.cmpi slt, %sub3A_43, %lt3A_45 : vector<16xi32>
    %add3A_47 = arith.constant 5000 : i32
    %add3A_48 = vector.broadcast %add3A_47 : i32 to vector<16xi32>
    %add3A_49 = arith.addi %sub3A_43, %add3A_48 : vector<16xi32>
    %select_n3A_50 = arith.select %lt3A_46, %add3A_49, %sub3A_43 : vector<16xi1>, vector<16xi32>
    %swap3A_51 = arith.constant 32 : index
    %swap3A_52 = tpu.vector_load %arg4[%swap3A_51] {strides = array<i32>} : memref<48xi32, #tpu.memory_space<vmem>>, vector<16xi32>,
    %swap3A_53 = vector.shape_cast %swap3A_52 : vector<16xi32> to vector<16xi32>
    %swap3A_54 = vector.shape_cast %select_n3A_50 : vector<16xi32> to vector<16xi32>
    tpu.vector_store %arg4[%swap3A_51], %swap3A_54 {strides = array<i32>} : memref<48xi32, #tpu.memory_space<vmem>>, vector<16xi32>,
    %dma_start3A = arith.constant 0 : i32
    %dma_start3A_55 = arith.constant 0 : i32
    %dma_start3A_56 = tpu.memref_slice %arg2[%dma_start3A, %dma_start3A_55] : memref<5000x512xf32, #tpu.memory_space<hbm>> -> memref<5000x512xf32, #tpu.memory_space<hbm>>
    tpu.enqueue_indirect_dma source(%dma_start3A_56 : memref<5000x512xf32, #tpu.memory_space<hbm>>) target(%arg5 : memref<48x512xf32, #tpu.memory_space<vmem>>) offsets(%arg4 : memref<48xi32, #tpu.memory_space<vmem>>) semaphore(%arg6 : memref<!tpu.dma_semaphore, #tpu.memory_space<semaphore_mem>>)
    %dma_wait3A = arith.constant 0 : i32
    %dma_wait3A_57 = arith.constant 0 : i32
    %dma_wait3A_58 = tpu.memref_slice %arg2[%dma_wait3A, %dma_wait3A_57] : memref<5000x512xf32, #tpu.memory_space<hbm>> -> memref<5000x512xf32, #tpu.memory_space<hbm>>
    tpu.wait_indirect_dma semaphore(%arg6 : memref<!tpu.dma_semaphore, #tpu.memory_space<semaphore_mem>>) src(%dma_wait3A_58 : memref<5000x512xf32, #tpu.memory_space<hbm>>) dst(%arg5 : memref<48x512xf32, #tpu.memory_space<vmem>>)
    "tpu.region"() ({
      %run_scoped3A = tpu.sem_alloc : memref<!tpu.dma_semaphore, #tpu.memory_space<semaphore_mem>>
      %dma_start3A_61 = arith.constant 0 : i32
      %dma_start3A_62 = arith.constant 0 : i32
      %dma_start3A_63 = tpu.memref_slice %arg5[%dma_start3A_61, %dma_start3A_62] : memref<48x512xf32, #tpu.memory_space<vmem>> -> memref<32x512xf32, #tpu.memory_space<vmem>>
      %dma_start3A_64 = arith.constant 0 : i32
      %dma_start3A_65 = tpu.memref_slice %arg3[%mul3A_2, %dma_start3A_64] : memref<1032x512xf32, #tpu.memory_space<hbm>> -> memref<32x512xf32, #tpu.memory_space<hbm>>
      %dma_start3A_66 = arith.constant 0 : i32
      %dma_start3A_67 = tpu.memref_slice %arg3[%mul3A_2, %dma_start3A_66] : memref<1032x512xf32, #tpu.memory_space<hbm>> -> memref<32x512xf32, #tpu.memory_space<hbm>>
      %dma_start3A_68 = arith.constant 0 : i32
      %dma_start3A_69 = arith.constant 0 : i32
      %dma_start3A_70 = tpu.memref_slice %arg5[%dma_start3A_68, %dma_start3A_69] : memref<48x512xf32, #tpu.memory_space<vmem>> -> memref<32x512xf32, #tpu.memory_space<vmem>>
      tpu.enqueue_dma source(%dma_start3A_70 : memref<32x512xf32, #tpu.memory_space<vmem>>) target(%dma_start3A_67 : memref<32x512xf32, #tpu.memory_space<hbm>>) target_semaphore(%run_scoped3A : memref<!tpu.dma_semaphore, #tpu.memory_space<semaphore_mem>>)
      %dma_wait3A_71 = arith.constant 0 : i32
      %dma_wait3A_72 = arith.constant 0 : i32
      %dma_wait3A_73 = tpu.memref_slice %arg5[%dma_wait3A_71, %dma_wait3A_72] : memref<48x512xf32, #tpu.memory_space<vmem>> -> memref<32x512xf32, #tpu.memory_space<vmem>>
      %dma_wait3A_74 = arith.constant 0 : i32
      %dma_wait3A_75 = tpu.memref_slice %arg3[%mul3A_2, %dma_wait3A_74] : memref<1032x512xf32, #tpu.memory_space<hbm>> -> memref<32x512xf32, #tpu.memory_space<hbm>>
      %dma_wait3A_76 = arith.constant 0 : i32
      %dma_wait3A_77 = tpu.memref_slice %arg3[%mul3A_2, %dma_wait3A_76] : memref<1032x512xf32, #tpu.memory_space<hbm>> -> memref<32x512xf32, #tpu.memory_space<hbm>>
      %dma_wait3A_78 = arith.constant 0 : i32
      %dma_wait3A_79 = arith.constant 0 : i32
      %dma_wait3A_80 = tpu.memref_slice %arg5[%dma_wait3A_78, %dma_wait3A_79] : memref<48x512xf32, #tpu.memory_space<vmem>> -> memref<32x512xf32, #tpu.memory_space<vmem>>
      tpu.wait_dma2 semaphore(%run_scoped3A : memref<!tpu.dma_semaphore, #tpu.memory_space<semaphore_mem>>) src(%dma_wait3A_80 : memref<32x512xf32, #tpu.memory_space<vmem>>) dst(%dma_wait3A_77 : memref<32x512xf32, #tpu.memory_space<hbm>>)
      tpu.yield
    }) : () -> ()
    %eq3A = arith.constant 31 : i32
    %eq3A_59 = arith.cmpi eq, %add3A, %eq3A : i32
    %convert_element_type3A = arith.extui %eq3A_59 : i1 to i32
    %cond3A = arith.constant 0 : i32
    %cond3A_60 = arith.cmpi ne, %convert_element_type3A, %cond3A : i32
    scf.if %cond3A_60 {
      %add3A_61 = arith.constant 32 : i32
      %add3A_62 = arith.addi %mul3A_2, %add3A_61 : i32
      "tpu.region"() ({
        %run_scoped3A = tpu.sem_alloc : memref<!tpu.dma_semaphore, #tpu.memory_space<semaphore_mem>>
        %dma_start3A_63 = arith.constant 32 : i32
        %dma_start3A_64 = arith.constant 0 : i32
        %dma_start3A_65 = tpu.memref_slice %arg5[%dma_start3A_63, %dma_start3A_64] : memref<48x512xf32, #tpu.memory_space<vmem>> -> memref<8x512xf32, #tpu.memory_space<vmem>>
        %dma_start3A_66 = arith.constant 0 : i32
        %dma_start3A_67 = tpu.memref_slice %arg3[%add3A_62, %dma_start3A_66] : memref<1032x512xf32, #tpu.memory_space<hbm>> -> memref<8x512xf32, #tpu.memory_space<hbm>>
        %dma_start3A_68 = arith.constant 0 : i32
        %dma_start3A_69 = tpu.memref_slice %arg3[%add3A_62, %dma_start3A_68] : memref<1032x512xf32, #tpu.memory_space<hbm>> -> memref<8x512xf32, #tpu.memory_space<hbm>>
        %dma_start3A_70 = arith.constant 32 : i32
        %dma_start3A_71 = arith.constant 0 : i32
        %dma_start3A_72 = tpu.memref_slice %arg5[%dma_start3A_70, %dma_start3A_71] : memref<48x512xf32, #tpu.memory_space<vmem>> -> memref<8x512xf32, #tpu.memory_space<vmem>>
        tpu.enqueue_dma source(%dma_start3A_72 : memref<8x512xf32, #tpu.memory_space<vmem>>) target(%dma_start3A_69 : memref<8x512xf32, #tpu.memory_space<hbm>>) target_semaphore(%run_scoped3A : memref<!tpu.dma_semaphore, #tpu.memory_space<semaphore_mem>>)
        %dma_wait3A_73 = arith.constant 32 : i32
        %dma_wait3A_74 = arith.constant 0 : i32
        %dma_wait3A_75 = tpu.memref_slice %arg5[%dma_wait3A_73, %dma_wait3A_74] : memref<48x512xf32, #tpu.memory_space<vmem>> -> memref<8x512xf32, #tpu.memory_space<vmem>>
        %dma_wait3A_76 = arith.constant 0 : i32
        %dma_wait3A_77 = tpu.memref_slice %arg3[%add3A_62, %dma_wait3A_76] : memref<1032x512xf32, #tpu.memory_space<hbm>> -> memref<8x512xf32, #tpu.memory_space<hbm>>
        %dma_wait3A_78 = arith.constant 0 : i32
        %dma_wait3A_79 = tpu.memref_slice %arg3[%add3A_62, %dma_wait3A_78] : memref<1032x512xf32, #tpu.memory_space<hbm>> -> memref<8x512xf32, #tpu.memory_space<hbm>>
        %dma_wait3A_80 = arith.constant 32 : i32
        %dma_wait3A_81 = arith.constant 0 : i32
        %dma_wait3A_82 = tpu.memref_slice %arg5[%dma_wait3A_80, %dma_wait3A_81] : memref<48x512xf32, #tpu.memory_space<vmem>> -> memref<8x512xf32, #tpu.memory_space<vmem>>
        tpu.wait_dma2 semaphore(%run_scoped3A : memref<!tpu.dma_semaphore, #tpu.memory_space<semaphore_mem>>) src(%dma_wait3A_82 : memref<8x512xf32, #tpu.memory_space<vmem>>) dst(%dma_wait3A_79 : memref<8x512xf32, #tpu.memory_space<hbm>>)
        tpu.yield
      }) : () -> ()
    } else {
    }
    return
  }
}

module attributes {stable_mosaic.version = 14 : i64} {
  func.func @body(%arg0: memref<1032x512xf32, #tpu.memory_space<vmem>>, %arg1: memref<512x512x512xf32, #tpu.memory_space<any>>, %arg2: memref<2x1024x512xf32, #tpu.memory_space<vmem>>, %arg3: memref<!tpu.dma_semaphore, #tpu.memory_space<semaphore_mem>>) attributes {dimension_semantics = [], scalar_prefetch = 0 : i64, scratch_operands = 2 : i64, tpu.core_type = #tpu.core_type<tc>} {
    %get3A = arith.constant 7 : index
    %get3A_0 = arith.constant 0 : index
    %get3A_1 = vector.load %arg0[%get3A, %get3A_0] : memref<1032x512xf32, #tpu.memory_space<vmem>>, vector<1024x512xf32>
    %swap3A = arith.constant 0 : index
    %swap3A_2 = arith.constant 0 : index
    %swap3A_3 = arith.constant 0 : index
    %swap3A_4 = vector.load %arg2[%swap3A, %swap3A_2, %swap3A_3] : memref<2x1024x512xf32, #tpu.memory_space<vmem>>, vector<1x1024x512xf32>
    %swap3A_5 = vector.shape_cast %swap3A_4 : vector<1x1024x512xf32> to vector<1024x512xf32>
    %swap3A_6 = vector.shape_cast %get3A_1 : vector<1024x512xf32> to vector<1x1024x512xf32>
    tpu.vector_store %arg2[%swap3A, %swap3A_2, %swap3A_3], %swap3A_6 {strides = array<i32>} : memref<2x1024x512xf32, #tpu.memory_space<vmem>>, vector<1x1024x512xf32>,
    %scan3A = arith.constant 0 : i32
    %scan3A_7 = arith.constant 64 : i32
    %scan3A_8 = arith.addi %scan3A, %scan3A_7 : i32
    %scan3A_9 = arith.constant 1 : i32
    scf.for %scan3A_137 = %scan3A to %scan3A_8 step %scan3A_9  : i32 {
      %mul3A = arith.constant 8 : i32
      %mul3A_138 = arith.muli %mul3A, %scan3A_137 : i32
      %sub3A = arith.constant 504 : i32
      %sub3A_139 = arith.subi %sub3A, %mul3A_138 : i32
      %multiple_of3A = tpu.assume_multiple %sub3A_139, 8 : i32
      %mul3A_140 = arith.constant 8 : i32
      %mul3A_141 = arith.muli %mul3A_140, %scan3A_137 : i32
      %add3A = arith.constant 0 : i32
      %add3A_142 = arith.addi %mul3A_141, %add3A : i32
      %dma_start3A = arith.constant 0 : i32
      %dma_start3A_143 = arith.constant 0 : i32
      %dma_start3A_144 = arith.constant 0 : i32
      %dma_start3A_145 = tpu.memref_slice %arg1[%add3A_142, %dma_start3A_143, %dma_start3A_144] : memref<512x512x512xf32, #tpu.memory_space<any>> -> memref<1x512x512xf32, #tpu.memory_space<any>>
      %dma_start3A_146 = tpu.memref_squeeze %dma_start3A_145 : memref<1x512x512xf32, #tpu.memory_space<any>> -> memref<512x512xf32, #tpu.memory_space<any>>
      %dma_start3A_147 = arith.constant 0 : i32
      %dma_start3A_148 = tpu.memref_slice %arg2[%dma_start3A, %multiple_of3A, %dma_start3A_147] : memref<2x1024x512xf32, #tpu.memory_space<vmem>> -> memref<1x512x512xf32, #tpu.memory_space<vmem>>
      %dma_start3A_149 = tpu.memref_squeeze %dma_start3A_148 : memref<1x512x512xf32, #tpu.memory_space<vmem>> -> memref<512x512xf32, #tpu.memory_space<vmem>>
      tpu.enqueue_dma source(%dma_start3A_149 : memref<512x512xf32, #tpu.memory_space<vmem>>) target(%dma_start3A_146 : memref<512x512xf32, #tpu.memory_space<any>>) target_semaphore(%arg3 : memref<!tpu.dma_semaphore, #tpu.memory_space<semaphore_mem>>)
    }
    %scan3A_10 = arith.constant 64 : i32
    %get3A_11 = arith.constant 6 : index
    %get3A_12 = arith.constant 0 : index
    %get3A_13 = vector.load %arg0[%get3A_11, %get3A_12] : memref<1032x512xf32, #tpu.memory_space<vmem>>, vector<1024x512xf32>
    %swap3A_14 = arith.constant 1 : index
    %swap3A_15 = arith.constant 0 : index
    %swap3A_16 = arith.constant 0 : index
    %swap3A_17 = vector.load %arg2[%swap3A_14, %swap3A_15, %swap3A_16] : memref<2x1024x512xf32, #tpu.memory_space<vmem>>, vector<1x1024x512xf32>
    %swap3A_18 = vector.shape_cast %swap3A_17 : vector<1x1024x512xf32> to vector<1024x512xf32>
    %swap3A_19 = vector.shape_cast %get3A_13 : vector<1024x512xf32> to vector<1x1024x512xf32>
    tpu.vector_store %arg2[%swap3A_14, %swap3A_15, %swap3A_16], %swap3A_19 {strides = array<i32>} : memref<2x1024x512xf32, #tpu.memory_space<vmem>>, vector<1x1024x512xf32>,
    %scan3A_20 = arith.constant 0 : i32
    %scan3A_21 = arith.constant 64 : i32
    %scan3A_22 = arith.addi %scan3A_20, %scan3A_21 : i32
    %scan3A_23 = arith.constant 1 : i32
    scf.for %scan3A_137 = %scan3A_20 to %scan3A_22 step %scan3A_23  : i32 {
      %mul3A = arith.constant 8 : i32
      %mul3A_138 = arith.muli %mul3A, %scan3A_137 : i32
      %sub3A = arith.constant 504 : i32
      %sub3A_139 = arith.subi %sub3A, %mul3A_138 : i32
      %multiple_of3A = tpu.assume_multiple %sub3A_139, 8 : i32
      %mul3A_140 = arith.constant 8 : i32
      %mul3A_141 = arith.muli %mul3A_140, %scan3A_137 : i32
      %add3A = arith.constant 1 : i32
      %add3A_142 = arith.addi %mul3A_141, %add3A : i32
      %dma_start3A = arith.constant 1 : i32
      %dma_start3A_143 = arith.constant 0 : i32
      %dma_start3A_144 = arith.constant 0 : i32
      %dma_start3A_145 = tpu.memref_slice %arg1[%add3A_142, %dma_start3A_143, %dma_start3A_144] : memref<512x512x512xf32, #tpu.memory_space<any>> -> memref<1x512x512xf32, #tpu.memory_space<any>>
      %dma_start3A_146 = tpu.memref_squeeze %dma_start3A_145 : memref<1x512x512xf32, #tpu.memory_space<any>> -> memref<512x512xf32, #tpu.memory_space<any>>
      %dma_start3A_147 = arith.constant 0 : i32
      %dma_start3A_148 = tpu.memref_slice %arg2[%dma_start3A, %multiple_of3A, %dma_start3A_147] : memref<2x1024x512xf32, #tpu.memory_space<vmem>> -> memref<1x512x512xf32, #tpu.memory_space<vmem>>
      %dma_start3A_149 = tpu.memref_squeeze %dma_start3A_148 : memref<1x512x512xf32, #tpu.memory_space<vmem>> -> memref<512x512xf32, #tpu.memory_space<vmem>>
      tpu.enqueue_dma source(%dma_start3A_149 : memref<512x512xf32, #tpu.memory_space<vmem>>) target(%dma_start3A_146 : memref<512x512xf32, #tpu.memory_space<any>>) target_semaphore(%arg3 : memref<!tpu.dma_semaphore, #tpu.memory_space<semaphore_mem>>)
    }
    %scan3A_24 = arith.constant 64 : i32
    %scan3A_25 = arith.constant 0 : i32
    %scan3A_26 = arith.constant 64 : i32
    %scan3A_27 = arith.addi %scan3A_25, %scan3A_26 : i32
    %scan3A_28 = arith.constant 1 : i32
    scf.for %scan3A_137 = %scan3A_25 to %scan3A_27 step %scan3A_28  : i32 {
      %dma_wait3A = arith.constant 0 : i32
      %dma_wait3A_138 = arith.constant 0 : i32
      %dma_wait3A_139 = arith.constant 0 : i32
      %dma_wait3A_140 = arith.constant 0 : i32
      %dma_wait3A_141 = tpu.memref_slice %arg1[%dma_wait3A_138, %dma_wait3A_139, %dma_wait3A_140] : memref<512x512x512xf32, #tpu.memory_space<any>> -> memref<1x512x512xf32, #tpu.memory_space<any>>
      %dma_wait3A_142 = tpu.memref_squeeze %dma_wait3A_141 : memref<1x512x512xf32, #tpu.memory_space<any>> -> memref<512x512xf32, #tpu.memory_space<any>>
      %dma_wait3A_143 = arith.constant 0 : i32
      %dma_wait3A_144 = arith.constant 0 : i32
      %dma_wait3A_145 = tpu.memref_slice %arg2[%dma_wait3A, %dma_wait3A_143, %dma_wait3A_144] : memref<2x1024x512xf32, #tpu.memory_space<vmem>> -> memref<1x512x512xf32, #tpu.memory_space<vmem>>
      %dma_wait3A_146 = tpu.memref_squeeze %dma_wait3A_145 : memref<1x512x512xf32, #tpu.memory_space<vmem>> -> memref<512x512xf32, #tpu.memory_space<vmem>>
      tpu.wait_dma2 semaphore(%arg3 : memref<!tpu.dma_semaphore, #tpu.memory_space<semaphore_mem>>) src(%dma_wait3A_146 : memref<512x512xf32, #tpu.memory_space<vmem>>) dst(%dma_wait3A_142 : memref<512x512xf32, #tpu.memory_space<any>>)
    }
    %get3A_29 = arith.constant 5 : index
    %get3A_30 = arith.constant 0 : index
    %get3A_31 = vector.load %arg0[%get3A_29, %get3A_30] : memref<1032x512xf32, #tpu.memory_space<vmem>>, vector<1024x512xf32>
    %swap3A_32 = arith.constant 0 : index
    %swap3A_33 = arith.constant 0 : index
    %swap3A_34 = arith.constant 0 : index
    %swap3A_35 = vector.load %arg2[%swap3A_32, %swap3A_33, %swap3A_34] : memref<2x1024x512xf32, #tpu.memory_space<vmem>>, vector<1x1024x512xf32>
    %swap3A_36 = vector.shape_cast %swap3A_35 : vector<1x1024x512xf32> to vector<1024x512xf32>
    %swap3A_37 = vector.shape_cast %get3A_31 : vector<1024x512xf32> to vector<1x1024x512xf32>
    tpu.vector_store %arg2[%swap3A_32, %swap3A_33, %swap3A_34], %swap3A_37 {strides = array<i32>} : memref<2x1024x512xf32, #tpu.memory_space<vmem>>, vector<1x1024x512xf32>,
    %scan3A_38 = arith.constant 0 : i32
    %scan3A_39 = arith.constant 64 : i32
    %scan3A_40 = arith.addi %scan3A_38, %scan3A_39 : i32
    %scan3A_41 = arith.constant 1 : i32
    scf.for %scan3A_137 = %scan3A_38 to %scan3A_40 step %scan3A_41  : i32 {
      %mul3A = arith.constant 8 : i32
      %mul3A_138 = arith.muli %mul3A, %scan3A_137 : i32
      %sub3A = arith.constant 504 : i32
      %sub3A_139 = arith.subi %sub3A, %mul3A_138 : i32
      %multiple_of3A = tpu.assume_multiple %sub3A_139, 8 : i32
      %mul3A_140 = arith.constant 8 : i32
      %mul3A_141 = arith.muli %mul3A_140, %scan3A_137 : i32
      %add3A = arith.constant 2 : i32
      %add3A_142 = arith.addi %mul3A_141, %add3A : i32
      %dma_start3A = arith.constant 0 : i32
      %dma_start3A_143 = arith.constant 0 : i32
      %dma_start3A_144 = arith.constant 0 : i32
      %dma_start3A_145 = tpu.memref_slice %arg1[%add3A_142, %dma_start3A_143, %dma_start3A_144] : memref<512x512x512xf32, #tpu.memory_space<any>> -> memref<1x512x512xf32, #tpu.memory_space<any>>
      %dma_start3A_146 = tpu.memref_squeeze %dma_start3A_145 : memref<1x512x512xf32, #tpu.memory_space<any>> -> memref<512x512xf32, #tpu.memory_space<any>>
      %dma_start3A_147 = arith.constant 0 : i32
      %dma_start3A_148 = tpu.memref_slice %arg2[%dma_start3A, %multiple_of3A, %dma_start3A_147] : memref<2x1024x512xf32, #tpu.memory_space<vmem>> -> memref<1x512x512xf32, #tpu.memory_space<vmem>>
      %dma_start3A_149 = tpu.memref_squeeze %dma_start3A_148 : memref<1x512x512xf32, #tpu.memory_space<vmem>> -> memref<512x512xf32, #tpu.memory_space<vmem>>
      tpu.enqueue_dma source(%dma_start3A_149 : memref<512x512xf32, #tpu.memory_space<vmem>>) target(%dma_start3A_146 : memref<512x512xf32, #tpu.memory_space<any>>) target_semaphore(%arg3 : memref<!tpu.dma_semaphore, #tpu.memory_space<semaphore_mem>>)
    }
    %scan3A_42 = arith.constant 64 : i32
    %scan3A_43 = arith.constant 0 : i32
    %scan3A_44 = arith.constant 64 : i32
    %scan3A_45 = arith.addi %scan3A_43, %scan3A_44 : i32
    %scan3A_46 = arith.constant 1 : i32
    scf.for %scan3A_137 = %scan3A_43 to %scan3A_45 step %scan3A_46  : i32 {
      %dma_wait3A = arith.constant 0 : i32
      %dma_wait3A_138 = arith.constant 0 : i32
      %dma_wait3A_139 = arith.constant 0 : i32
      %dma_wait3A_140 = arith.constant 0 : i32
      %dma_wait3A_141 = tpu.memref_slice %arg1[%dma_wait3A_138, %dma_wait3A_139, %dma_wait3A_140] : memref<512x512x512xf32, #tpu.memory_space<any>> -> memref<1x512x512xf32, #tpu.memory_space<any>>
      %dma_wait3A_142 = tpu.memref_squeeze %dma_wait3A_141 : memref<1x512x512xf32, #tpu.memory_space<any>> -> memref<512x512xf32, #tpu.memory_space<any>>
      %dma_wait3A_143 = arith.constant 0 : i32
      %dma_wait3A_144 = arith.constant 0 : i32
      %dma_wait3A_145 = tpu.memref_slice %arg2[%dma_wait3A, %dma_wait3A_143, %dma_wait3A_144] : memref<2x1024x512xf32, #tpu.memory_space<vmem>> -> memref<1x512x512xf32, #tpu.memory_space<vmem>>
      %dma_wait3A_146 = tpu.memref_squeeze %dma_wait3A_145 : memref<1x512x512xf32, #tpu.memory_space<vmem>> -> memref<512x512xf32, #tpu.memory_space<vmem>>
      tpu.wait_dma2 semaphore(%arg3 : memref<!tpu.dma_semaphore, #tpu.memory_space<semaphore_mem>>) src(%dma_wait3A_146 : memref<512x512xf32, #tpu.memory_space<vmem>>) dst(%dma_wait3A_142 : memref<512x512xf32, #tpu.memory_space<any>>)
    }
    %get3A_47 = arith.constant 4 : index
    %get3A_48 = arith.constant 0 : index
    %get3A_49 = vector.load %arg0[%get3A_47, %get3A_48] : memref<1032x512xf32, #tpu.memory_space<vmem>>, vector<1024x512xf32>
    %swap3A_50 = arith.constant 1 : index
    %swap3A_51 = arith.constant 0 : index
    %swap3A_52 = arith.constant 0 : index
    %swap3A_53 = vector.load %arg2[%swap3A_50, %swap3A_51, %swap3A_52] : memref<2x1024x512xf32, #tpu.memory_space<vmem>>, vector<1x1024x512xf32>
    %swap3A_54 = vector.shape_cast %swap3A_53 : vector<1x1024x512xf32> to vector<1024x512xf32>
    %swap3A_55 = vector.shape_cast %get3A_49 : vector<1024x512xf32> to vector<1x1024x512xf32>
    tpu.vector_store %arg2[%swap3A_50, %swap3A_51, %swap3A_52], %swap3A_55 {strides = array<i32>} : memref<2x1024x512xf32, #tpu.memory_space<vmem>>, vector<1x1024x512xf32>,
    %scan3A_56 = arith.constant 0 : i32
    %scan3A_57 = arith.constant 64 : i32
    %scan3A_58 = arith.addi %scan3A_56, %scan3A_57 : i32
    %scan3A_59 = arith.constant 1 : i32
    scf.for %scan3A_137 = %scan3A_56 to %scan3A_58 step %scan3A_59  : i32 {
      %mul3A = arith.constant 8 : i32
      %mul3A_138 = arith.muli %mul3A, %scan3A_137 : i32
      %sub3A = arith.constant 504 : i32
      %sub3A_139 = arith.subi %sub3A, %mul3A_138 : i32
      %multiple_of3A = tpu.assume_multiple %sub3A_139, 8 : i32
      %mul3A_140 = arith.constant 8 : i32
      %mul3A_141 = arith.muli %mul3A_140, %scan3A_137 : i32
      %add3A = arith.constant 3 : i32
      %add3A_142 = arith.addi %mul3A_141, %add3A : i32
      %dma_start3A = arith.constant 1 : i32
      %dma_start3A_143 = arith.constant 0 : i32
      %dma_start3A_144 = arith.constant 0 : i32
      %dma_start3A_145 = tpu.memref_slice %arg1[%add3A_142, %dma_start3A_143, %dma_start3A_144] : memref<512x512x512xf32, #tpu.memory_space<any>> -> memref<1x512x512xf32, #tpu.memory_space<any>>
      %dma_start3A_146 = tpu.memref_squeeze %dma_start3A_145 : memref<1x512x512xf32, #tpu.memory_space<any>> -> memref<512x512xf32, #tpu.memory_space<any>>
      %dma_start3A_147 = arith.constant 0 : i32
      %dma_start3A_148 = tpu.memref_slice %arg2[%dma_start3A, %multiple_of3A, %dma_start3A_147] : memref<2x1024x512xf32, #tpu.memory_space<vmem>> -> memref<1x512x512xf32, #tpu.memory_space<vmem>>
      %dma_start3A_149 = tpu.memref_squeeze %dma_start3A_148 : memref<1x512x512xf32, #tpu.memory_space<vmem>> -> memref<512x512xf32, #tpu.memory_space<vmem>>
      tpu.enqueue_dma source(%dma_start3A_149 : memref<512x512xf32, #tpu.memory_space<vmem>>) target(%dma_start3A_146 : memref<512x512xf32, #tpu.memory_space<any>>) target_semaphore(%arg3 : memref<!tpu.dma_semaphore, #tpu.memory_space<semaphore_mem>>)
    }
    %scan3A_60 = arith.constant 64 : i32
    %scan3A_61 = arith.constant 0 : i32
    %scan3A_62 = arith.constant 64 : i32
    %scan3A_63 = arith.addi %scan3A_61, %scan3A_62 : i32
    %scan3A_64 = arith.constant 1 : i32
    scf.for %scan3A_137 = %scan3A_61 to %scan3A_63 step %scan3A_64  : i32 {
      %dma_wait3A = arith.constant 0 : i32
      %dma_wait3A_138 = arith.constant 0 : i32
      %dma_wait3A_139 = arith.constant 0 : i32
      %dma_wait3A_140 = arith.constant 0 : i32
      %dma_wait3A_141 = tpu.memref_slice %arg1[%dma_wait3A_138, %dma_wait3A_139, %dma_wait3A_140] : memref<512x512x512xf32, #tpu.memory_space<any>> -> memref<1x512x512xf32, #tpu.memory_space<any>>
      %dma_wait3A_142 = tpu.memref_squeeze %dma_wait3A_141 : memref<1x512x512xf32, #tpu.memory_space<any>> -> memref<512x512xf32, #tpu.memory_space<any>>
      %dma_wait3A_143 = arith.constant 0 : i32
      %dma_wait3A_144 = arith.constant 0 : i32
      %dma_wait3A_145 = tpu.memref_slice %arg2[%dma_wait3A, %dma_wait3A_143, %dma_wait3A_144] : memref<2x1024x512xf32, #tpu.memory_space<vmem>> -> memref<1x512x512xf32, #tpu.memory_space<vmem>>
      %dma_wait3A_146 = tpu.memref_squeeze %dma_wait3A_145 : memref<1x512x512xf32, #tpu.memory_space<vmem>> -> memref<512x512xf32, #tpu.memory_space<vmem>>
      tpu.wait_dma2 semaphore(%arg3 : memref<!tpu.dma_semaphore, #tpu.memory_space<semaphore_mem>>) src(%dma_wait3A_146 : memref<512x512xf32, #tpu.memory_space<vmem>>) dst(%dma_wait3A_142 : memref<512x512xf32, #tpu.memory_space<any>>)
    }
    %get3A_65 = arith.constant 3 : index
    %get3A_66 = arith.constant 0 : index
    %get3A_67 = vector.load %arg0[%get3A_65, %get3A_66] : memref<1032x512xf32, #tpu.memory_space<vmem>>, vector<1024x512xf32>
    %swap3A_68 = arith.constant 0 : index
    %swap3A_69 = arith.constant 0 : index
    %swap3A_70 = arith.constant 0 : index
    %swap3A_71 = vector.load %arg2[%swap3A_68, %swap3A_69, %swap3A_70] : memref<2x1024x512xf32, #tpu.memory_space<vmem>>, vector<1x1024x512xf32>
    %swap3A_72 = vector.shape_cast %swap3A_71 : vector<1x1024x512xf32> to vector<1024x512xf32>
    %swap3A_73 = vector.shape_cast %get3A_67 : vector<1024x512xf32> to vector<1x1024x512xf32>
    tpu.vector_store %arg2[%swap3A_68, %swap3A_69, %swap3A_70], %swap3A_73 {strides = array<i32>} : memref<2x1024x512xf32, #tpu.memory_space<vmem>>, vector<1x1024x512xf32>,
    %scan3A_74 = arith.constant 0 : i32
    %scan3A_75 = arith.constant 64 : i32
    %scan3A_76 = arith.addi %scan3A_74, %scan3A_75 : i32
    %scan3A_77 = arith.constant 1 : i32
    scf.for %scan3A_137 = %scan3A_74 to %scan3A_76 step %scan3A_77  : i32 {
      %mul3A = arith.constant 8 : i32
      %mul3A_138 = arith.muli %mul3A, %scan3A_137 : i32
      %sub3A = arith.constant 504 : i32
      %sub3A_139 = arith.subi %sub3A, %mul3A_138 : i32
      %multiple_of3A = tpu.assume_multiple %sub3A_139, 8 : i32
      %mul3A_140 = arith.constant 8 : i32
      %mul3A_141 = arith.muli %mul3A_140, %scan3A_137 : i32
      %add3A = arith.constant 4 : i32
      %add3A_142 = arith.addi %mul3A_141, %add3A : i32
      %dma_start3A = arith.constant 0 : i32
      %dma_start3A_143 = arith.constant 0 : i32
      %dma_start3A_144 = arith.constant 0 : i32
      %dma_start3A_145 = tpu.memref_slice %arg1[%add3A_142, %dma_start3A_143, %dma_start3A_144] : memref<512x512x512xf32, #tpu.memory_space<any>> -> memref<1x512x512xf32, #tpu.memory_space<any>>
      %dma_start3A_146 = tpu.memref_squeeze %dma_start3A_145 : memref<1x512x512xf32, #tpu.memory_space<any>> -> memref<512x512xf32, #tpu.memory_space<any>>
      %dma_start3A_147 = arith.constant 0 : i32
      %dma_start3A_148 = tpu.memref_slice %arg2[%dma_start3A, %multiple_of3A, %dma_start3A_147] : memref<2x1024x512xf32, #tpu.memory_space<vmem>> -> memref<1x512x512xf32, #tpu.memory_space<vmem>>
      %dma_start3A_149 = tpu.memref_squeeze %dma_start3A_148 : memref<1x512x512xf32, #tpu.memory_space<vmem>> -> memref<512x512xf32, #tpu.memory_space<vmem>>
      tpu.enqueue_dma source(%dma_start3A_149 : memref<512x512xf32, #tpu.memory_space<vmem>>) target(%dma_start3A_146 : memref<512x512xf32, #tpu.memory_space<any>>) target_semaphore(%arg3 : memref<!tpu.dma_semaphore, #tpu.memory_space<semaphore_mem>>)
    }
    %scan3A_78 = arith.constant 64 : i32
    %scan3A_79 = arith.constant 0 : i32
    %scan3A_80 = arith.constant 64 : i32
    %scan3A_81 = arith.addi %scan3A_79, %scan3A_80 : i32
    %scan3A_82 = arith.constant 1 : i32
    scf.for %scan3A_137 = %scan3A_79 to %scan3A_81 step %scan3A_82  : i32 {
      %dma_wait3A = arith.constant 0 : i32
      %dma_wait3A_138 = arith.constant 0 : i32
      %dma_wait3A_139 = arith.constant 0 : i32
      %dma_wait3A_140 = arith.constant 0 : i32
      %dma_wait3A_141 = tpu.memref_slice %arg1[%dma_wait3A_138, %dma_wait3A_139, %dma_wait3A_140] : memref<512x512x512xf32, #tpu.memory_space<any>> -> memref<1x512x512xf32, #tpu.memory_space<any>>
      %dma_wait3A_142 = tpu.memref_squeeze %dma_wait3A_141 : memref<1x512x512xf32, #tpu.memory_space<any>> -> memref<512x512xf32, #tpu.memory_space<any>>
      %dma_wait3A_143 = arith.constant 0 : i32
      %dma_wait3A_144 = arith.constant 0 : i32
      %dma_wait3A_145 = tpu.memref_slice %arg2[%dma_wait3A, %dma_wait3A_143, %dma_wait3A_144] : memref<2x1024x512xf32, #tpu.memory_space<vmem>> -> memref<1x512x512xf32, #tpu.memory_space<vmem>>
      %dma_wait3A_146 = tpu.memref_squeeze %dma_wait3A_145 : memref<1x512x512xf32, #tpu.memory_space<vmem>> -> memref<512x512xf32, #tpu.memory_space<vmem>>
      tpu.wait_dma2 semaphore(%arg3 : memref<!tpu.dma_semaphore, #tpu.memory_space<semaphore_mem>>) src(%dma_wait3A_146 : memref<512x512xf32, #tpu.memory_space<vmem>>) dst(%dma_wait3A_142 : memref<512x512xf32, #tpu.memory_space<any>>)
    }
    %get3A_83 = arith.constant 2 : index
    %get3A_84 = arith.constant 0 : index
    %get3A_85 = vector.load %arg0[%get3A_83, %get3A_84] : memref<1032x512xf32, #tpu.memory_space<vmem>>, vector<1024x512xf32>
    %swap3A_86 = arith.constant 1 : index
    %swap3A_87 = arith.constant 0 : index
    %swap3A_88 = arith.constant 0 : index
    %swap3A_89 = vector.load %arg2[%swap3A_86, %swap3A_87, %swap3A_88] : memref<2x1024x512xf32, #tpu.memory_space<vmem>>, vector<1x1024x512xf32>
    %swap3A_90 = vector.shape_cast %swap3A_89 : vector<1x1024x512xf32> to vector<1024x512xf32>
    %swap3A_91 = vector.shape_cast %get3A_85 : vector<1024x512xf32> to vector<1x1024x512xf32>
    tpu.vector_store %arg2[%swap3A_86, %swap3A_87, %swap3A_88], %swap3A_91 {strides = array<i32>} : memref<2x1024x512xf32, #tpu.memory_space<vmem>>, vector<1x1024x512xf32>,
    %scan3A_92 = arith.constant 0 : i32
    %scan3A_93 = arith.constant 64 : i32
    %scan3A_94 = arith.addi %scan3A_92, %scan3A_93 : i32
    %scan3A_95 = arith.constant 1 : i32
    scf.for %scan3A_137 = %scan3A_92 to %scan3A_94 step %scan3A_95  : i32 {
      %mul3A = arith.constant 8 : i32
      %mul3A_138 = arith.muli %mul3A, %scan3A_137 : i32
      %sub3A = arith.constant 504 : i32
      %sub3A_139 = arith.subi %sub3A, %mul3A_138 : i32
      %multiple_of3A = tpu.assume_multiple %sub3A_139, 8 : i32
      %mul3A_140 = arith.constant 8 : i32
      %mul3A_141 = arith.muli %mul3A_140, %scan3A_137 : i32
      %add3A = arith.constant 5 : i32
      %add3A_142 = arith.addi %mul3A_141, %add3A : i32
      %dma_start3A = arith.constant 1 : i32
      %dma_start3A_143 = arith.constant 0 : i32
      %dma_start3A_144 = arith.constant 0 : i32
      %dma_start3A_145 = tpu.memref_slice %arg1[%add3A_142, %dma_start3A_143, %dma_start3A_144] : memref<512x512x512xf32, #tpu.memory_space<any>> -> memref<1x512x512xf32, #tpu.memory_space<any>>
      %dma_start3A_146 = tpu.memref_squeeze %dma_start3A_145 : memref<1x512x512xf32, #tpu.memory_space<any>> -> memref<512x512xf32, #tpu.memory_space<any>>
      %dma_start3A_147 = arith.constant 0 : i32
      %dma_start3A_148 = tpu.memref_slice %arg2[%dma_start3A, %multiple_of3A, %dma_start3A_147] : memref<2x1024x512xf32, #tpu.memory_space<vmem>> -> memref<1x512x512xf32, #tpu.memory_space<vmem>>
      %dma_start3A_149 = tpu.memref_squeeze %dma_start3A_148 : memref<1x512x512xf32, #tpu.memory_space<vmem>> -> memref<512x512xf32, #tpu.memory_space<vmem>>
      tpu.enqueue_dma source(%dma_start3A_149 : memref<512x512xf32, #tpu.memory_space<vmem>>) target(%dma_start3A_146 : memref<512x512xf32, #tpu.memory_space<any>>) target_semaphore(%arg3 : memref<!tpu.dma_semaphore, #tpu.memory_space<semaphore_mem>>)
    }
    %scan3A_96 = arith.constant 64 : i32
    %scan3A_97 = arith.constant 0 : i32
    %scan3A_98 = arith.constant 64 : i32
    %scan3A_99 = arith.addi %scan3A_97, %scan3A_98 : i32
    %scan3A_100 = arith.constant 1 : i32
    scf.for %scan3A_137 = %scan3A_97 to %scan3A_99 step %scan3A_100  : i32 {
      %dma_wait3A = arith.constant 0 : i32
      %dma_wait3A_138 = arith.constant 0 : i32
      %dma_wait3A_139 = arith.constant 0 : i32
      %dma_wait3A_140 = arith.constant 0 : i32
      %dma_wait3A_141 = tpu.memref_slice %arg1[%dma_wait3A_138, %dma_wait3A_139, %dma_wait3A_140] : memref<512x512x512xf32, #tpu.memory_space<any>> -> memref<1x512x512xf32, #tpu.memory_space<any>>
      %dma_wait3A_142 = tpu.memref_squeeze %dma_wait3A_141 : memref<1x512x512xf32, #tpu.memory_space<any>> -> memref<512x512xf32, #tpu.memory_space<any>>
      %dma_wait3A_143 = arith.constant 0 : i32
      %dma_wait3A_144 = arith.constant 0 : i32
      %dma_wait3A_145 = tpu.memref_slice %arg2[%dma_wait3A, %dma_wait3A_143, %dma_wait3A_144] : memref<2x1024x512xf32, #tpu.memory_space<vmem>> -> memref<1x512x512xf32, #tpu.memory_space<vmem>>
      %dma_wait3A_146 = tpu.memref_squeeze %dma_wait3A_145 : memref<1x512x512xf32, #tpu.memory_space<vmem>> -> memref<512x512xf32, #tpu.memory_space<vmem>>
      tpu.wait_dma2 semaphore(%arg3 : memref<!tpu.dma_semaphore, #tpu.memory_space<semaphore_mem>>) src(%dma_wait3A_146 : memref<512x512xf32, #tpu.memory_space<vmem>>) dst(%dma_wait3A_142 : memref<512x512xf32, #tpu.memory_space<any>>)
    }
    %get3A_101 = arith.constant 1 : index
    %get3A_102 = arith.constant 0 : index
    %get3A_103 = vector.load %arg0[%get3A_101, %get3A_102] : memref<1032x512xf32, #tpu.memory_space<vmem>>, vector<1024x512xf32>
    %swap3A_104 = arith.constant 0 : index
    %swap3A_105 = arith.constant 0 : index
    %swap3A_106 = arith.constant 0 : index
    %swap3A_107 = vector.load %arg2[%swap3A_104, %swap3A_105, %swap3A_106] : memref<2x1024x512xf32, #tpu.memory_space<vmem>>, vector<1x1024x512xf32>
    %swap3A_108 = vector.shape_cast %swap3A_107 : vector<1x1024x512xf32> to vector<1024x512xf32>
    %swap3A_109 = vector.shape_cast %get3A_103 : vector<1024x512xf32> to vector<1x1024x512xf32>
    tpu.vector_store %arg2[%swap3A_104, %swap3A_105, %swap3A_106], %swap3A_109 {strides = array<i32>} : memref<2x1024x512xf32, #tpu.memory_space<vmem>>, vector<1x1024x512xf32>,
    %scan3A_110 = arith.constant 0 : i32
    %scan3A_111 = arith.constant 64 : i32
    %scan3A_112 = arith.addi %scan3A_110, %scan3A_111 : i32
    %scan3A_113 = arith.constant 1 : i32
    scf.for %scan3A_137 = %scan3A_110 to %scan3A_112 step %scan3A_113  : i32 {
      %mul3A = arith.constant 8 : i32
      %mul3A_138 = arith.muli %mul3A, %scan3A_137 : i32
      %sub3A = arith.constant 504 : i32
      %sub3A_139 = arith.subi %sub3A, %mul3A_138 : i32
      %multiple_of3A = tpu.assume_multiple %sub3A_139, 8 : i32
      %mul3A_140 = arith.constant 8 : i32
      %mul3A_141 = arith.muli %mul3A_140, %scan3A_137 : i32
      %add3A = arith.constant 6 : i32
      %add3A_142 = arith.addi %mul3A_141, %add3A : i32
      %dma_start3A = arith.constant 0 : i32
      %dma_start3A_143 = arith.constant 0 : i32
      %dma_start3A_144 = arith.constant 0 : i32
      %dma_start3A_145 = tpu.memref_slice %arg1[%add3A_142, %dma_start3A_143, %dma_start3A_144] : memref<512x512x512xf32, #tpu.memory_space<any>> -> memref<1x512x512xf32, #tpu.memory_space<any>>
      %dma_start3A_146 = tpu.memref_squeeze %dma_start3A_145 : memref<1x512x512xf32, #tpu.memory_space<any>> -> memref<512x512xf32, #tpu.memory_space<any>>
      %dma_start3A_147 = arith.constant 0 : i32
      %dma_start3A_148 = tpu.memref_slice %arg2[%dma_start3A, %multiple_of3A, %dma_start3A_147] : memref<2x1024x512xf32, #tpu.memory_space<vmem>> -> memref<1x512x512xf32, #tpu.memory_space<vmem>>
      %dma_start3A_149 = tpu.memref_squeeze %dma_start3A_148 : memref<1x512x512xf32, #tpu.memory_space<vmem>> -> memref<512x512xf32, #tpu.memory_space<vmem>>
      tpu.enqueue_dma source(%dma_start3A_149 : memref<512x512xf32, #tpu.memory_space<vmem>>) target(%dma_start3A_146 : memref<512x512xf32, #tpu.memory_space<any>>) target_semaphore(%arg3 : memref<!tpu.dma_semaphore, #tpu.memory_space<semaphore_mem>>)
    }
    %scan3A_114 = arith.constant 64 : i32
    %scan3A_115 = arith.constant 0 : i32
    %scan3A_116 = arith.constant 64 : i32
    %scan3A_117 = arith.addi %scan3A_115, %scan3A_116 : i32
    %scan3A_118 = arith.constant 1 : i32
    scf.for %scan3A_137 = %scan3A_115 to %scan3A_117 step %scan3A_118  : i32 {
      %dma_wait3A = arith.constant 0 : i32
      %dma_wait3A_138 = arith.constant 0 : i32
      %dma_wait3A_139 = arith.constant 0 : i32
      %dma_wait3A_140 = arith.constant 0 : i32
      %dma_wait3A_141 = tpu.memref_slice %arg1[%dma_wait3A_138, %dma_wait3A_139, %dma_wait3A_140] : memref<512x512x512xf32, #tpu.memory_space<any>> -> memref<1x512x512xf32, #tpu.memory_space<any>>
      %dma_wait3A_142 = tpu.memref_squeeze %dma_wait3A_141 : memref<1x512x512xf32, #tpu.memory_space<any>> -> memref<512x512xf32, #tpu.memory_space<any>>
      %dma_wait3A_143 = arith.constant 0 : i32
      %dma_wait3A_144 = arith.constant 0 : i32
      %dma_wait3A_145 = tpu.memref_slice %arg2[%dma_wait3A, %dma_wait3A_143, %dma_wait3A_144] : memref<2x1024x512xf32, #tpu.memory_space<vmem>> -> memref<1x512x512xf32, #tpu.memory_space<vmem>>
      %dma_wait3A_146 = tpu.memref_squeeze %dma_wait3A_145 : memref<1x512x512xf32, #tpu.memory_space<vmem>> -> memref<512x512xf32, #tpu.memory_space<vmem>>
      tpu.wait_dma2 semaphore(%arg3 : memref<!tpu.dma_semaphore, #tpu.memory_space<semaphore_mem>>) src(%dma_wait3A_146 : memref<512x512xf32, #tpu.memory_space<vmem>>) dst(%dma_wait3A_142 : memref<512x512xf32, #tpu.memory_space<any>>)
    }
    %get3A_119 = arith.constant 0 : index
    %get3A_120 = arith.constant 0 : index
    %get3A_121 = vector.load %arg0[%get3A_119, %get3A_120] : memref<1032x512xf32, #tpu.memory_space<vmem>>, vector<1024x512xf32>
    %swap3A_122 = arith.constant 1 : index
    %swap3A_123 = arith.constant 0 : index
    %swap3A_124 = arith.constant 0 : index
    %swap3A_125 = vector.load %arg2[%swap3A_122, %swap3A_123, %swap3A_124] : memref<2x1024x512xf32, #tpu.memory_space<vmem>>, vector<1x1024x512xf32>
    %swap3A_126 = vector.shape_cast %swap3A_125 : vector<1x1024x512xf32> to vector<1024x512xf32>
    %swap3A_127 = vector.shape_cast %get3A_121 : vector<1024x512xf32> to vector<1x1024x512xf32>
    tpu.vector_store %arg2[%swap3A_122, %swap3A_123, %swap3A_124], %swap3A_127 {strides = array<i32>} : memref<2x1024x512xf32, #tpu.memory_space<vmem>>, vector<1x1024x512xf32>,
    %scan3A_128 = arith.constant 0 : i32
    %scan3A_129 = arith.constant 64 : i32
    %scan3A_130 = arith.addi %scan3A_128, %scan3A_129 : i32
    %scan3A_131 = arith.constant 1 : i32
    scf.for %scan3A_137 = %scan3A_128 to %scan3A_130 step %scan3A_131  : i32 {
      %mul3A = arith.constant 8 : i32
      %mul3A_138 = arith.muli %mul3A, %scan3A_137 : i32
      %sub3A = arith.constant 504 : i32
      %sub3A_139 = arith.subi %sub3A, %mul3A_138 : i32
      %multiple_of3A = tpu.assume_multiple %sub3A_139, 8 : i32
      %mul3A_140 = arith.constant 8 : i32
      %mul3A_141 = arith.muli %mul3A_140, %scan3A_137 : i32
      %add3A = arith.constant 7 : i32
      %add3A_142 = arith.addi %mul3A_141, %add3A : i32
      %dma_start3A = arith.constant 1 : i32
      %dma_start3A_143 = arith.constant 0 : i32
      %dma_start3A_144 = arith.constant 0 : i32
      %dma_start3A_145 = tpu.memref_slice %arg1[%add3A_142, %dma_start3A_143, %dma_start3A_144] : memref<512x512x512xf32, #tpu.memory_space<any>> -> memref<1x512x512xf32, #tpu.memory_space<any>>
      %dma_start3A_146 = tpu.memref_squeeze %dma_start3A_145 : memref<1x512x512xf32, #tpu.memory_space<any>> -> memref<512x512xf32, #tpu.memory_space<any>>
      %dma_start3A_147 = arith.constant 0 : i32
      %dma_start3A_148 = tpu.memref_slice %arg2[%dma_start3A, %multiple_of3A, %dma_start3A_147] : memref<2x1024x512xf32, #tpu.memory_space<vmem>> -> memref<1x512x512xf32, #tpu.memory_space<vmem>>
      %dma_start3A_149 = tpu.memref_squeeze %dma_start3A_148 : memref<1x512x512xf32, #tpu.memory_space<vmem>> -> memref<512x512xf32, #tpu.memory_space<vmem>>
      tpu.enqueue_dma source(%dma_start3A_149 : memref<512x512xf32, #tpu.memory_space<vmem>>) target(%dma_start3A_146 : memref<512x512xf32, #tpu.memory_space<any>>) target_semaphore(%arg3 : memref<!tpu.dma_semaphore, #tpu.memory_space<semaphore_mem>>)
    }
    %scan3A_132 = arith.constant 64 : i32
    %scan3A_133 = arith.constant 0 : i32
    %scan3A_134 = arith.constant 128 : i32
    %scan3A_135 = arith.addi %scan3A_133, %scan3A_134 : i32
    %scan3A_136 = arith.constant 1 : i32
    scf.for %scan3A_137 = %scan3A_133 to %scan3A_135 step %scan3A_136  : i32 {
      %dma_wait3A = arith.constant 0 : i32
      %dma_wait3A_138 = arith.constant 0 : i32
      %dma_wait3A_139 = arith.constant 0 : i32
      %dma_wait3A_140 = arith.constant 0 : i32
      %dma_wait3A_141 = tpu.memref_slice %arg1[%dma_wait3A_138, %dma_wait3A_139, %dma_wait3A_140] : memref<512x512x512xf32, #tpu.memory_space<any>> -> memref<1x512x512xf32, #tpu.memory_space<any>>
      %dma_wait3A_142 = tpu.memref_squeeze %dma_wait3A_141 : memref<1x512x512xf32, #tpu.memory_space<any>> -> memref<512x512xf32, #tpu.memory_space<any>>
      %dma_wait3A_143 = arith.constant 0 : i32
      %dma_wait3A_144 = arith.constant 0 : i32
      %dma_wait3A_145 = tpu.memref_slice %arg2[%dma_wait3A, %dma_wait3A_143, %dma_wait3A_144] : memref<2x1024x512xf32, #tpu.memory_space<vmem>> -> memref<1x512x512xf32, #tpu.memory_space<vmem>>
      %dma_wait3A_146 = tpu.memref_squeeze %dma_wait3A_145 : memref<1x512x512xf32, #tpu.memory_space<vmem>> -> memref<512x512xf32, #tpu.memory_space<vmem>>
      tpu.wait_dma2 semaphore(%arg3 : memref<!tpu.dma_semaphore, #tpu.memory_space<semaphore_mem>>) src(%dma_wait3A_146 : memref<512x512xf32, #tpu.memory_space<vmem>>) dst(%dma_wait3A_142 : memref<512x512xf32, #tpu.memory_space<any>>)
    }
    return
  }
}

</mosaic_0001>

<sc_bundles>
// kernel: kernel.4.cloned.1.call-start
scs
__scs_entry_jumppad:
0x0: {  	(pc) =	sbr.rel $0x88, $3  }
0x1: {  	(tag) =	ssettag $0x0;
	lr =	simm.s32 $0x1  }
0x2: {  	[smem:$0x3FA0] =	sst lr;
	_ =	strace $0xD0000000  }
0x3: {  	_ = 	snop  }
0x4: {  	_ = 	snop  }
0x5: {  	_ = 	snop  }
0x6: {  	_ = 	snop  }
0x7: {  	_ = 	snop  }
__scs_overlays_trampoline_lowered:
0x8: {  	[smem:$0x3FAF] =	sst s0  }
0x9: {  	[smem:$0x3FB0] =	sst s1  }
0xa: {  	[smem:$0x3FB1] =	sst s2  }
0xb: {  	[smem:$0x3FB2] =	sst s3  }
0xc: {  	[smem:$0x3FB3] =	sst s4  }
0xd: {  	[smem:$0x3FB4] =	sst s5  }
0xe: {  	[smem:$0x3FB5] =	sst s6  }
0xf: {  	[smem:$0x3FB6] =	sst s7  }
0x10: {  	[smem:$0x3FB7] =	sst s8  }
0x11: {  	[smem:$0x3FB8] =	sst s9;
	s0 =	simm.s32 @!p0 $0x0  }
0x12: {  	s1 =	sld [smem:$0x3F9E];
	s0 =	simm.s32 @p0 $0x1  }
0x13: {  	[smem:$0x3FB9] =	sst s0;
	s0 =	simm.s32 @!p1 $0x0  }
0x14: {  	s2 =	sld [smem:$0x3F9D];
	s0 =	simm.s32 @p1 $0x1  }
0x15: {  	[smem:$0x3FBA] =	sst s0;
	s0 =	simm.s32 @!p2 $0x0  }
0x16: {  	s3 =	sld [smem:$0x3FDB];
	s0 =	simm.s32 @p2 $0x1  }
0x17: {  	s4 =	simm.s32 $0x1BF5;
	[smem:$0x3FBC] =	sst s0  }
0x18: {  	s0 =	sld [smem:$0x3F9F];
	_ =	swait.ge [sflag:s4], $0x0  }
0x19: {  	s7 =	sld [smem:$0x3FA0]  }
0x1a: {  	s8 =	sadd.s32 $0xFFFFE003, lr  }
0x1b: {  	s9 =	sadd.s32 $0xFFFFFEF7, lr;
	s5 =	simm.s32 $0xFFFFFFFF;
	p2 =	slt.u32 s8, $0xFFFFF086  }
0x1c: {  	p1 =	slt.u32 s9, $0xF7A;
	s5 =	simm.s32 @!p2 $0x0  }
0x1d: {  	s5 =	simm.s32 @p1 $0x1;
	p0 =	seq.s32 s7, s2  }
0x1e: {  	s7 =	smul.u32 @!p0 $0xF7A, s2;
	p2 =	seq.s32 @!p0 s5, $0x0  }
0x1f: {  	s9 =	smul.u32 $0xF7A, s1;
	s8 =	simm.s32 @!p0 $0x1BF5;
	p2 =	por !p2, p0  }
0x20: {  	[sflag:s8] =	ssyncset.s32 @!p0 $0xFFFFF086;
	s6 =	sadd.s32 @!p0 s3, s7;
	s7 =	simm.s32 @!p0 $0x108  }
0x21: {  	s3 =	sadd.s32 s3, s9;
	s6 =	sadd.s32 @!p0 $0x88, s6;
	s7 =	simm.s32 @p2 $0x1082  }
0x22: {  	[simem:s7], [sflag:s8] =	dma.local @!p0 [hbm:s6], $0xF7A  }
0x23: {  	s9 =	sor.u32 $0xD0000000, s2;
	s6 =	simm.s32 $0x108;
	_ =	swait.ge @!p0 [sflag:s8], $0x0  }
0x24: {  	s3 =	sadd.s32 $0x88, s3;
	s6 =	simm.s32 @!p1 $0x1082;
	[sflag:s4] =	ssyncset.s32 $0xFFFFF086  }
0x25: {  	[simem:s6], [sflag:s4] =	dma.local [hbm:s3], $0xF7A  }
0x26: {  	[smem:$0x3FA0] =	sst s1;
	(tag) =	ssettag s2;
	_ =	strace s9  }
0x27: {  	s1 =	sld [smem:$0x3FB0]  }
0x28: {  	s2 =	sld [smem:$0x3FB1]  }
0x29: {  	s4 =	sld [smem:$0x3FB3]  }
0x2a: {  	p0 =	seq.s32 s5, $0x0;
	s5 =	sld [smem:$0x3FB4]  }
0x2b: {  	s6 =	sld [smem:$0x3FB5]  }
0x2c: {  	s7 =	sld [smem:$0x3FB6]  }
0x2d: {  	s3 =	simm.s32 $0x108;
	s8 =	sld [smem:$0x3FB7]  }
0x2e: {  	s3 =	simm.s32 @!p0 $0x1082;
	s9 =	sld [smem:$0x3FB8]  }
0x2f: {  	lr =	sadd.s32 s0, s3;
	s0 =	sld [smem:$0x3FAF]  }
0x30: {  	s3 =	sld [smem:$0x3FB2]  }
0x31: {  	[smem:$0x3FBB] =	sst s10  }
0x32: {  	s10 =	sld [smem:$0x3FB9];
	_ =	sdelay $0x3  }
0x33: {  	p0 =	seq.s32 s10, $0x1;
	s10 =	sld [smem:$0x3FBB];
	_ =	sdelay $0x3  }
0x34: {  	[smem:$0x3FBB] =	sst s10  }
0x35: {  	s10 =	sld [smem:$0x3FBA];
	_ =	sdelay $0x3  }
0x36: {  	p1 =	seq.s32 s10, $0x1;
	s10 =	sld [smem:$0x3FBB];
	_ =	sdelay $0x3  }
0x37: {  	[smem:$0x3FBB] =	sst s10  }
0x38: {  	s10 =	sld [smem:$0x3FBC]  }
0x39: {  	_ = 	snop;
	(pc) =	sbr.ind lr, $3  }
0x3a: {  	_ = 	snop  }
0x3b: {  	_ = 	snop  }
0x3c: {  	p2 =	seq.s32 s10, $0x1;
	s10 =	sld [smem:$0x3FBB]  }
0x3d: {  	_ =	shalt  }
0x3e: {  	_ =	shalt  }
0x3f: {  	_ =	shalt  }
0x40: {  	_ =	shalt  }
0x41: {  	_ =	shalt  }
0x42: {  	_ =	shalt  }
0x43: {  	_ =	shalt  }
0x44: {  	_ =	shalt  }
0x45: {  	_ =	shalt  }
0x46: {  	_ =	shalt  }
0x47: {  	_ =	shalt  }
0x48: {  	_ =	shalt  }
0x49: {  	_ =	shalt  }
0x4a: {  	_ =	shalt  }
0x4b: {  	_ =	shalt  }
0x4c: {  	_ =	shalt  }
0x4d: {  	_ =	shalt  }
0x4e: {  	_ =	shalt  }
0x4f: {  	_ =	shalt  }
0x50: {  	_ =	shalt  }
0x51: {  	_ =	shalt  }
0x52: {  	_ =	shalt  }
0x53: {  	_ =	shalt  }
0x54: {  	_ =	shalt  }
0x55: {  	_ =	shalt  }
0x56: {  	_ =	shalt  }
0x57: {  	_ =	shalt  }
0x58: {  	_ =	shalt  }
0x59: {  	_ =	shalt  }
0x5a: {  	_ =	shalt  }
0x5b: {  	_ =	shalt  }
0x5c: {  	_ =	shalt  }
0x5d: {  	_ =	shalt  }
0x5e: {  	_ =	shalt  }
0x5f: {  	_ =	shalt  }
0x60: {  	_ =	shalt  }
0x61: {  	_ =	shalt  }
0x62: {  	_ =	shalt  }
0x63: {  	_ =	shalt  }
0x64: {  	_ =	shalt  }
0x65: {  	_ =	shalt  }
0x66: {  	_ =	shalt  }
0x67: {  	_ =	shalt  }
0x68: {  	_ =	shalt  }
0x69: {  	_ =	shalt  }
0x6a: {  	_ =	shalt  }
0x6b: {  	_ =	shalt  }
0x6c: {  	_ =	shalt  }
0x6d: {  	_ =	shalt  }
0x6e: {  	_ =	shalt  }
0x6f: {  	_ =	shalt  }
0x70: {  	_ =	shalt  }
0x71: {  	_ =	shalt  }
0x72: {  	_ =	shalt  }
0x73: {  	_ =	shalt  }
0x74: {  	_ =	shalt  }
0x75: {  	_ =	shalt  }
0x76: {  	_ =	shalt  }
0x77: {  	_ =	shalt  }
0x78: {  	_ =	shalt  }
0x79: {  	_ =	shalt  }
0x7a: {  	_ =	shalt  }
0x7b: {  	_ =	shalt  }
0x7c: {  	_ =	shalt  }
0x7d: {  	_ =	shalt  }
0x7e: {  	_ =	shalt  }
0x7f: {  	_ =	shalt  }
0x80: {  	_ =	shalt  }
0x81: {  	_ =	shalt  }
0x82: {  	_ =	shalt  }
0x83: {  	_ =	shalt  }
0x84: {  	_ =	shalt  }
0x85: {  	_ =	shalt  }
0x86: {  	_ =	shalt  }
0x87: {  	_ =	shalt  }
.Lfunc_end0:
.L_simem_size_0:
called_computation_lowered:
.L_overlay_start_0:
0x88: {  	s2 =	sld [smem:$0x3FD9]  }
0x89: {  	s3 =	sld [smem:$0x3FFE];
	_ =	sdelay $0x1  }
0x8a: {  	s1 =	srdreg.scid  }
0x8b: {  	s0 =	sand.u32 $0x1, s1  }
0x8c: {  	s18 =	sshll.u32 s0, $0xA;
	s2 =	sadd.s32 s3, s2  }
0x8d: {  	s2 =	sadd.s32 s2, s18  }
0x8e: {  	[smem:$0x3FC7] =	sst s2  }
0x8f: {  	_ = 	snop  }
0x90: {  	s2 =	sld [smem:$0x3FC9]  }
0x91: {  	s19 =	sld [smem:$0x3FD0];
	(tm) =	ssettm $0x1  }
0x92: {  	s4 =	sld [smem:$0x3FFB];
	_ =	sdelay $0x3  }
0x93: {  	_ =	strace s4  }
0x94: {  	s4 =	sld [smem:$0x3FFC];
	_ =	sdelay $0x3  }
0x95: {  	_ =	strace s4  }
0x96: {  	s4 =	sld [smem:$0x3FFD];
	_ =	sdelay $0x3  }
0x97: {  	_ =	strace s4  }
0x98: {  	_ =	strace $0x8FFFFFFF  }
0x99: {  	s20 =	sld [smem:$0x3FDB];
	_ =	sdelay $0x1  }
0x9a: {  	s5 =	simm.s32 $_scs_section_size  }
0x9b: {  	s6 =	simm.s32 $_size__tile_overlayer_lowered;
	s7 =	simm.s32 $_tile_overlayer_lowered  }
0x9c: {  	s23 =	simm.s32 $0x1BFF;
	s22 =	sshll.u32 s7, $0x1;
	s4 =	sadd.s32 s5, s20  }
0x9d: {  	s8 =	simm.s32 $0x0;
	s21 =	sshll.u32 s6, $0x1;
	s6 =	sadd.s32 s22, s4  }
0x9e: {  	[timem:s8], [sflag:s23] =	dma.local [hbm:s6], s21  }
0x9f: {  	_ =	swait.ge [sflag:s23], s21  }
0xa0: {  	s5 =	ssub.s32 $0x0, s21;
	[sflag:s23] =	ssyncset.done $0x0  }
0xa1: {  	[sflag:s23] =	ssyncadd.s32 s5;
	_ =	sdelay $0x1  }
0xa2: {  	s24 =	simm.s32 $0x1B8B  }
0xa3: {  	_ =	swait.ge [sflag:s24], $0x1  }
0xa4: {  	[sflag:s24] =	ssyncset.done $0x0  }
0xa5: {  	s25 =	simm.s32 $0x1B8E;
	[sflag:s24] =	ssyncadd.s32 $0xFFFFFFFF  }
0xa6: {  	s26 =	simm.s32 $execute0_lowered;
	[smem:$0x3FD2] =	sst s25  }
0xa7: {  	s5 =	sshll.u32 s26, $0x1;
	_ =	strace $0x80000046;
	[dreg:$0x1] =	wrdreg $0xFFFFFFFF  }
0xa8: {  	s28 =	simm.s32 $_size_execute0_lowered;
	s4 =	sadd.s32 s4, s5;
	[dreg:$0x0] =	wrdreg $0x0  }
0xa9: {  	s5 =	sshll.u32 s28, $0x1;
	[dreg:$0x2] =	wrdreg s4  }
0xaa: {  	[dreg:$0x3] =	wrdreg s5  }
0xab: {  	[dreg:$0x4] =	wrdreg $0xC0  }
0xac: {  	_ =	task [dreg:s8], $0x5FFFF  }
0xad: {  	[dreg:$0x1] =	wrdreg $0xFFFFFFFF  }
0xae: {  	[dreg:$0x0] =	wrdreg $0x60  }
0xaf: {  	[dreg:$0x2] =	wrdreg s2  }
0xb0: {  	[dreg:$0x3] =	wrdreg s19  }
0xb1: {  	[dreg:$0x4] =	wrdreg $0x9  }
0xb2: {  	_ =	task.clear_ibuf [dreg:s8], $0x5FFFF;
	_ =	strace $0x90000046  }
0xb3: {  	s29 =	simm.s32 $0x9;
	_ =	strace $0x80000048  }
0xb4: {  	_ =	swait.ge [sflag:s29], $0x1  }
0xb5: {  	[sflag:s29] =	ssyncadd.s32 $0xFFFFFFFF  }
0xb6: {  	_ =	strace $0x90000048  }
0xb7: {  	_ =	sfence  }
0xb8: {  	s30 =	sld [smem:$0x0];
	_ =	sdelay $0x2  }
0xb9: {  	s31 =	sshll.u32 s1, $0xD;
	s1 =	sshrl.u32 s1, $0x2  }
0xba: {  	s3 =	sand.u32 $0x4000, s31;
	s1 =	sadd.s32 s1, s30  }
0xbb: {  	s0 =	sor.u32 s3, s0;
	s1 =	sshll.u32 s1, $0x11  }
0xbc: {  	s0 =	sor.u32 s1, s0  }
0xbd: {  	s0 =	sadd.s32 $0x8F2B, s0  }
0xbe: {  	[sflag:s0] =	ssyncadd.remote.s32 $0x1  }
0xbf: {  	_ =	sfence.sel $0xFFFF  }
0xc0: {  	[dreg:$0x0] =	wrdreg $0xFFFFFFFF;
	(pc) =	sbr.abs _section_cstart, $3  }
0xc1: {  	[dreg:$0x1] =	wrdreg $0xFFFFFFFF  }
0xc2: {  	_ =	task.clear_ibuf [dreg:s8], $0x2FFFF;
	_ =	strace $0x9FFFFFFF  }
0xc3: {  	(tm) =	ssettm $0x7FFFFFFF  }
tec
execute0_lowered:
.L_overlay_start_1:
0x0: {  	(tag) =	ssettag $0x1  }
0x1: {  	s1 =	srdreg.scid;
	s0 =	stileid.u32  }
0x2: {  	v2 =	vlaneseq.u32;
	s4 =	sand.u32 $0x1, s1;
	s29 =	sshll.u32 s0, $0x1  }
0x3: {  	v0 =	vmul.u32 $0xFFFFFFFF, v2;
	s8 =	sor.u32 s4, s29  }
0x4: {  	s5 =	sshll.u32 s8, $0x5  }
0x5: {  	s2 =	rddreg [dreg:$0x0];
	v3 =	vadd.s32 $0x1FF, v0;
	v5 =	vadd.s32 $0x1587, v0;
	v1 =	vmov s5  }
0x6: {  	s6 =	rddreg [dreg:$0x1];
	s7 =	sor.u32 $0x10, s5;
	vm0 =	vlt.s32 v3, s5;
	s10 =	sadd.s32 $0x20, s5;
	v4 =	vsub.s32 v3, v1;
	v0 =	vsub.s32 v5, v1  }
0x7: {  	s3 =	simm.s32 $0x0;
	s11 =	simm.s32 $0x1880;
	s12 =	simm.s32 $0x2080;
	v1 =	vmov s7;
	vm1 =	vlt.s32 v3, s10;
	v0 =	vsel vm0, v0, v4  }
0x8: {  	s13 =	simm.s32 $0x2880;
	s14 =	simm.s32 $0x3080;
	s15 =	simm.s32 $0x3880;
	v4 =	vsub.s32 v3, v1;
	v6 =	vsub.s32 v5, v1;
	v1 =	vmov s10  }
0x9: {  	s16 =	simm.s32 $0x4080;
	s17 =	simm.s32 $0x4880;
	s18 =	simm.s32 $0x5080;
	vm0 =	vlt.s32 v3, s7;
	v7 =	vshll.u32 v0, $0x2;
	v8 =	vsub.s32 v3, v1  }
0xa: {  	s19 =	simm.s32 $0x5880;
	s20 =	simm.s32 $0x1;
	s1 =	rddreg [dreg:$0x2];
	v9 =	vand.u32 $0x7, v0;
	v5 =	vsub.s32 v5, v1;
	v7 =	vand.u32 $0xFFFFFFE0, v7  }
0xb: {  	s21 =	simm.s32 $0x2;
	[smem:$0x7FF] =	sst s3;
	s4 =	ssub.s32 $0x2, s4;
	v1 =	vand.u32 $0x7, v2;
	v3 =	vshrl.u32 v2, $0x3;
	v7 =	vor.u32 v9, v7  }
0xc: {  	_ =	strace $0x80000047;
	s9 =	sshrl.u32 s4, $0x1;
	s31 =	sshll.u32 s8, $0xB;
	v2 =	vor.u32 $0x8, v2;
	v3 =	vmul.u32 $0x8, v3;
	v9 =	vperm.xlane v7, v1  }
0xd: {  	p0 =	sne.s32 s8, $0x1F;
	s8 =	simm.s32 $0x80;
	s30 =	ssub.s32 s4, s9;
	v7 =	vperm.xlane v7, v2  }
0xe: {  	s4 =	sadd.s32 $0x100, s2;
	s5 =	sadd.s32 s6, s31;
	s6 =	sadd.s32 $0x10000, s6;
	v4 =	vsel vm0, v6, v4;
	v6 =	vadd.s32 v3, v9  }
0xf: {  	s9 =	simm.s32 $0x880;
	s7 =	smax.u32 s30, $0x1;
	s10 =	simm.s32 $0x1080;
	vm0 =	vmmov $0xffff;
	v5 =	vsel vm1, v5, v8;
	v7 =	vadd.s32 v3, v7  }
.LBB2_1:
0x10: {  	[tilespmem:$0x0] =	vst v0  }
0x11: {  	[tilespmem:$0x10] =	vst v4  }
0x12: {  	[tilespmem:$0x20] =	vst v5  }
0x13: {  	[tilespmem:s8], [sflag:$0x1] =	stream.indirect_vreg.gather [hbm4b:s2+s3], $0x80, v6, vm0, $0xb8;
	[tilespmem:$0x6080] =	vst v63  }
0x14: {  	_ = 	snop  }
0x15: {  	[tilespmem:s9], [sflag:$0x1] =	stream.indirect_vreg.gather [hbm4b:s4+s3], $0x80, v6, vm0, $0xb8;
	[tilespmem:$0x6080] =	vst v63  }
0x16: {  	_ = 	snop  }
0x17: {  	[tilespmem:s10], [sflag:$0x1] =	stream.indirect_vreg.gather [hbm4b:s2+s3], $0x80, v7, vm0, $0xb8;
	[tilespmem:$0x6080] =	vst v63  }
0x18: {  	_ = 	snop  }
0x19: {  	[tilespmem:s11], [sflag:$0x1] =	stream.indirect_vreg.gather [hbm4b:s4+s3], $0x80, v7, vm0, $0xb8;
	[tilespmem:$0x6080] =	vst v63  }
0x1a: {  	v8 =	vld [tilespmem:$0x10];
	_ =	sdelay $0x4  }
0x1b: {  	v9 =	vshll.u32 v8, $0x2  }
0x1c: {  	v8 =	vand.u32 $0x7, v8;
	v9 =	vand.u32 $0xFFFFFFE0, v9  }
0x1d: {  	v8 =	vor.u32 v8, v9  }
0x1e: {  	v9 =	vperm.xlane v8, v1;
	_ =	sdelay $0x1  }
0x1f: {  	v9 =	vadd.s32 v3, v9;
	_ =	sdelay $0x1  }
0x20: {  	v8 =	vperm.xlane v8, v2;
	_ =	sdelay $0x1  }
0x21: {  	v8 =	vadd.s32 v3, v8  }
0x22: {  	[tilespmem:s12], [sflag:$0x1] =	stream.indirect_vreg.gather [hbm4b:s2+s3], $0x80, v9, vm0, $0xb8;
	[tilespmem:$0x6080] =	vst v63  }
0x23: {  	_ = 	snop  }
0x24: {  	[tilespmem:s13], [sflag:$0x1] =	stream.indirect_vreg.gather [hbm4b:s4+s3], $0x80, v9, vm0, $0xb8;
	[tilespmem:$0x6080] =	vst v63  }
0x25: {  	_ = 	snop  }
0x26: {  	[tilespmem:s14], [sflag:$0x1] =	stream.indirect_vreg.gather [hbm4b:s2+s3], $0x80, v8, vm0, $0xb8;
	[tilespmem:$0x6080] =	vst v63  }
0x27: {  	_ = 	snop  }
0x28: {  	[tilespmem:s15], [sflag:$0x1] =	stream.indirect_vreg.gather [hbm4b:s4+s3], $0x80, v8, vm0, $0xb8;
	[tilespmem:$0x6080] =	vst v63  }
0x29: {  	v8 =	vld [tilespmem:$0x20];
	_ =	sdelay $0x4  }
0x2a: {  	v63 =	vshll.u32 v8, $0x2  }
0x2b: {  	v8 =	vand.u32 $0x7, v8;
	v9 =	vand.u32 $0xFFFFFFE0, v63  }
0x2c: {  	v8 =	vor.u32 v8, v9  }
0x2d: {  	v9 =	vperm.xlane v8, v1;
	_ =	sdelay $0x1  }
0x2e: {  	v9 =	vadd.s32 v3, v9;
	_ =	sdelay $0x1  }
0x2f: {  	v8 =	vperm.xlane v8, v2;
	_ =	sdelay $0x1  }
0x30: {  	v8 =	vadd.s32 v3, v8  }
0x31: {  	[tilespmem:s16], [sflag:$0x1] =	stream.indirect_vreg.gather [hbm4b:s2+s3], $0x80, v9, vm0, $0xb8;
	[tilespmem:$0x6080] =	vst v63  }
0x32: {  	_ = 	snop  }
0x33: {  	[tilespmem:s17], [sflag:$0x1] =	stream.indirect_vreg.gather [hbm4b:s4+s3], $0x80, v9, vm0, $0xb8;
	[tilespmem:$0x6080] =	vst v63  }
0x34: {  	_ = 	snop  }
0x35: {  	[tilespmem:s18], [sflag:$0x1] =	stream.indirect_vreg.gather [hbm4b:s2+s3], $0x80, v8, vm0, $0xb8;
	[tilespmem:$0x6080] =	vst v63  }
0x36: {  	_ = 	snop  }
0x37: {  	[tilespmem:s19], [sflag:$0x1] =	stream.indirect_vreg.gather [hbm4b:s4+s3], $0x80, v8, vm0, $0xb8;
	[tilespmem:$0x6080] =	vst v63  }
0x38: {  	_ =	swait.ge [sflag:s20], $0x6000  }
0x39: {  	[sflag:s20] =	ssyncset.done $0x0  }
0x3a: {  	[sflag:s20] =	ssyncadd.s32 $0xFFFFA000  }
0x3b: {  	[hbm4b:s5+s3] =	stream.linear.scatter [tilespmem:s8], [sflag:$0x2], $0x4000, $0x38;
	[tilespmem:$0x6080] =	vst v63  }
0x3c: {  	_ =	swait.ge [sflag:s21], $0x4000  }
0x3d: {  	s22 =	simm.s32 @!p0 $0x0;
	s7 =	sadd.s32 $0xFFFFFFFF, s7;
	[sflag:s21] =	ssyncset.done $0x0  }
0x3e: {  	s23 =	simm.s32 @!p0 $0x4080;
	p1 =	sne.s32 s7, $0x0;
	[sflag:s21] =	ssyncadd.s32 $0xFFFFC000  }
0x3f: {  	[hbm4b:s6+s22] =	stream.linear.scatter @!p0 [tilespmem:s23], [sflag:$0x2], $0x1000, $0x38;
	[tilespmem:$0x6080] =	vst v63  }
.Ltmp0:
0x40: {  	_ = 	snop;
	(pc) =	sbr.rel @p1 .LBB2_1-.Ltmp0, $4  }
0x41: {  	s22 =	simm.s32 @!p0 $0x2  }
0x42: {  	_ =	swait.ge @!p0 [sflag:s22], $0x1000  }
0x43: {  	[sflag:s22] =	ssyncset.done @!p0 $0x0  }
0x44: {  	[sflag:s22] =	ssyncadd.s32 @!p0 $0xFFFFF000  }
0x45: {  	_ =	sfence.sel $0x180000  }
0x46: {  	[bflag:$0x0] =	sbarrier.arrive $0xFFFF  }
0x47: {  	p0 =	sne.s32 s0, $0x0;
	_ =	strace $0x90000047  }
0x48: {  	s0 =	sadd.s32 @!p0 $0x100000, s1;
	[bflag:$0x2] =	sbarrier.arrive $0xFFFF  }
0x49: {  	[sflag:s0] =	ssyncadd.tile.s32 @!p0 $0x1;
	_ =	shalt  }
.Lfunc_end2:
_tile_overlayer_lowered:
.L_overlay_start_2:
0x4a: {  	(tag) =	ssettag $0x2  }
0x4b: {  	s0 =	rddreg [dreg:$0x0];
	s2 =	stileid.u32  }
0x4c: {  	s1 =	rddreg [dreg:$0x1];
	p0 =	sne.s32 s2, $0x0  }
0x4d: {  	s3 =	rddreg [dreg:$0x2];
	[bflag:$0x3] =	sbarrier.arrive $0xFFFF;
	s2 =	simm.s32 @!p0 $0x1C02  }
0x4e: {  	[timem:s3], [sflag:s2] =	dma.local @!p0 [hbm:s0], s1  }
0x4f: {  	s0 =	simm.s32 @!p0 $0x2  }
0x50: {  	_ =	swait.ge @!p0 [sflag:s0], s1  }
0x51: {  	s1 =	ssub.s32 @!p0 $0x0, s1;
	[sflag:s0] =	ssyncset.done @!p0 $0x0  }
0x52: {  	[sflag:s0] =	ssyncadd.s32 @!p0 s1  }
0x53: {  	[bflag:$0x3] =	sbarrier.arrive $0xFFFF  }
0x54: {  	_ =	shalt  }

</sc_bundles>
